<compile_context>
chip_gen: v7x
topology: tpu7x:2x2x1
jax: 0.10.2.dev20260603
libtpu: 0.0.44.dev20260713+nightly
codegen_flags: <defaults>
</compile_context>

<pallas_src>
import functools

import jax
import jax.numpy as jnp
from jax.experimental import pallas as pl
from jax.experimental.pallas import tpu as pltpu

_P = 6
_B, _H, _W, _C = 8, 384, 384, 16
_M = _H * _W * _C
_R = (_M + _P - 1) // _P


def _select_body(y_ref, t_ref, keys_ref, *, rank):
    bits = jax.lax.bitcast_convert_type(y_ref[...], jnp.uint32)
    neg = (bits >> 31) == jnp.uint32(1)
    keys_ref[...] = bits ^ jnp.where(neg, jnp.uint32(0xFFFFFFFF),
                                     jnp.uint32(0x80000000))

    def body(i, t):
        sh_hi = jnp.uint32(31) - jnp.uint32(2) * i.astype(jnp.uint32)
        hi_bit = jnp.uint32(1) << sh_hi
        lo_bit = hi_bit >> 1
        cand_a = t | hi_bit
        cand_b = t | lo_bit
        cand_c = cand_a | lo_bit
        k = keys_ref[0]
        ones_row = jnp.ones((1, k.shape[0]), jnp.float32)

        def count(cand):
            m = (k >= cand).astype(jnp.float32)
            col = jax.lax.dot_general(ones_row, m, (((1,), (0,)), ((), ())),
                                      preferred_element_type=jnp.float32)
            return jnp.sum(col).astype(jnp.int32)

        cnt_a = count(cand_a)
        cnt_b = count(cand_b)
        cnt_c = count(cand_c)
        t_hi = jnp.where(cnt_c >= rank, cand_c, cand_a)
        t_lo = jnp.where(cnt_b >= rank, cand_b, t)
        return jnp.where(cnt_a >= rank, t_hi, t_lo)

    T = jax.lax.fori_loop(0, 16, body, jnp.uint32(0))
    fbits = jnp.where(T >= jnp.uint32(0x80000000),
                      T ^ jnp.uint32(0x80000000),
                      T ^ jnp.uint32(0xFFFFFFFF))
    t_ref[0, 0, 0] = jax.lax.bitcast_convert_type(fbits, jnp.float32)


def _mask_body(t_ref, y_ref, o_ref, *, h):
    t = t_ref[0, 0, 0] / jnp.float32(h)
    o_ref[...] = (y_ref[...] / jnp.float32(h) >= t).astype(jnp.float32)


def _thresholds(yflat, rank, interpret=False):
    b, s, l = yflat.shape
    kern = pl.pallas_call(
        functools.partial(_select_body, rank=rank),
        grid=(b,),
        in_specs=[pl.BlockSpec((1, s, l), lambda i: (i, 0, 0))],
        out_specs=pl.BlockSpec((1, 1, 1), lambda i: (i, 0, 0),
                               memory_space=pltpu.SMEM),
        out_shape=jax.ShapeDtypeStruct((b, 1, 1), jnp.float32),
        scratch_shapes=[pltpu.VMEM((1, s, l), jnp.uint32)],
        interpret=interpret,
    )
    return kern(yflat)


def _mask(yt, thr, h, interpret=False):
    bc, hh, w = yt.shape
    c = bc // thr.shape[0]
    kern = pl.pallas_call(
        functools.partial(_mask_body, h=float(h)),
        grid=(bc,),
        in_specs=[
            pl.BlockSpec((1, 1, 1), lambda i: (i // c, 0, 0),
                         memory_space=pltpu.SMEM),
            pl.BlockSpec((1, hh, w), lambda i: (i, 0, 0)),
        ],
        out_specs=pl.BlockSpec((1, hh, w), lambda i: (i, 0, 0)),
        out_shape=jax.ShapeDtypeStruct((bc, hh, w), jnp.float32),
        interpret=interpret,
    )
    return kern(thr, yt)


def kernel(Y, Masks, Z0):
    del Masks
    yflat = jnp.reshape(Y, (_B, _M // 128, 128))
    thr = _thresholds(yflat, _R)
    yt = jnp.reshape(jnp.transpose(Y, (0, 3, 1, 2)), (_B * _C, _H, _W))
    m = _mask(yt, thr, _H)
    ytr = jnp.reshape(m, (_B, _C, _H, _W)).astype(jnp.complex64)
    return (ytr, Z0)

# --- scband reference (transcript-rebuilt; emitter-appended) ---
"""Pipeline reference for scband-fsi-initial-85761906966755 (READ-ONLY COPY).

The authoritative reference and input builder live on the scoring server;
editing this copy changes nothing except your own understanding.
"""

import jax, jax.numpy as jnp
import numpy as np

P = 6
B, H, W, C = 8, 384, 384, 16
M = H * W * C
R = int(np.ceil(M / P))


def setup_inputs(seed: int = 0) -> dict:
    key = jax.random.key(seed)
    k1, k2, k3, k4 = jax.random.split(key, 4)
    Y = jax.random.normal(k1, (B, H, W, C), dtype=jnp.float32)
    Masks = jax.random.normal(k2, (H, W, C), dtype=jnp.float32)
    # Z0 buffer built in build(): complex init normalized by Frobenius norm
    Z0_abs = 0.5 + 0.1 * jax.random.normal(k3, (H, W), dtype=jnp.float32)
    Z0_ang = (0.5 * np.pi ** 0.5) * jax.random.normal(k4, (H, W), dtype=jnp.float32)
    Z0 = Z0_abs.astype(jnp.complex64) * jnp.exp(1j * Z0_ang.astype(jnp.complex64))
    Z0 = (Z0 / jnp.linalg.norm(Z0, ord='fro')).astype(jnp.complex64)
    return {"Y": Y, "Masks": Masks, "Z0": Z0}


def reference(Y, Masks, Z0):
    # Masks is cast to complex64 and stored in the original layer; it does not
    # affect the returned tensors.
    _ = Masks.astype(jnp.complex64)
    Yt = jnp.transpose(Y.astype(jnp.float32), (0, 3, 1, 2))  # (B, C, H, W)
    Y_S = Yt / jnp.float32(H)  # divide by self.S[1]
    y_s = jnp.reshape(Y_S, (Yt.shape[0], -1))
    y_s = -jnp.sort(-y_s, axis=1)  # descending sort
    aux = y_s[:, R - 1]  # R-th largest value per sample
    threshold = jnp.reshape(aux, (-1, 1, 1, 1))
    Ytr = (Y_S >= threshold).astype(jnp.complex64)
    return (Ytr, Z0)

if __name__ == "__main__":
    import jax
    _d = setup_inputs()
    print(jax.jit(kernel)(*tuple(_d.values())))

</pallas_src>

<mosaic_0001>
module attributes {stable_mosaic.version = 14 : i64} {
  func.func @_select_body(%arg0: i32, %arg1: memref<1x18432x128xf32, #tpu.memory_space<vmem>>, %arg2: memref<1x1x1xf32, #tpu.memory_space<smem>>, %arg3: memref<1x18432x128xi32, #tpu.memory_space<vmem>>) attributes {dimension_semantics = [#tpu.dimension_semantics<arbitrary>], iteration_bounds = array<i64: 8>, scalar_prefetch = 0 : i64, scratch_operands = 1 : i64, tpu.core_type = #tpu.core_type<tc>, window_params = [{transform_indices = @transform_0, window_bounds = array<i64: 1, 18432, 128>}, {transform_indices = @transform_1, window_bounds = array<i64: 1, 1, 1>}]} {
    %get3A = arith.constant 0 : index
    %get3A_0 = arith.constant 0 : index
    %get3A_1 = arith.constant 0 : index
    %get3A_2 = vector.load %arg1[%get3A, %get3A_0, %get3A_1] : memref<1x18432x128xf32, #tpu.memory_space<vmem>>, vector<1x18432x128xf32>
    %bitcast_convert_type3A = tpu.bitcast %get3A_2 : vector<1x18432x128xf32> -> vector<1x18432x128xi32>
    %shift_right_logical3A = arith.constant 31 : i32
    %shift_right_logical3A_3 = vector.broadcast %shift_right_logical3A : i32 to vector<1x18432x128xi32>
    %shift_right_logical3A_4 = arith.shrui %bitcast_convert_type3A, %shift_right_logical3A_3 : vector<1x18432x128xi32>
    %eq3A = arith.constant 1 : i32
    %eq3A_5 = vector.broadcast %eq3A : i32 to vector<1x18432x128xi32>
    %eq3A_6 = arith.cmpi eq, %shift_right_logical3A_4, %eq3A_5 : vector<1x18432x128xi32>
    %jit3A = arith.constant -1 : i32
    %jit3A_7 = arith.constant -2147483648 : i32
    %broadcast_in_dim3A = vector.broadcast %jit3A : i32 to vector<1x18432x128xi32>
    %broadcast_in_dim3A_8 = vector.broadcast %jit3A_7 : i32 to vector<1x18432x128xi32>
    %select_n3A = arith.select %eq3A_6, %broadcast_in_dim3A, %broadcast_in_dim3A_8 : vector<1x18432x128xi1>, vector<1x18432x128xi32>
    %xor3A = arith.xori %bitcast_convert_type3A, %select_n3A : vector<1x18432x128xi32>
    %swap3A = arith.constant 0 : index
    %swap3A_9 = arith.constant 0 : index
    %swap3A_10 = arith.constant 0 : index
    %swap3A_11 = vector.load %arg3[%swap3A, %swap3A_9, %swap3A_10] : memref<1x18432x128xi32, #tpu.memory_space<vmem>>, vector<1x18432x128xi32>
    tpu.vector_store %arg3[%swap3A, %swap3A_9, %swap3A_10], %xor3A {strides = array<i32>} : memref<1x18432x128xi32, #tpu.memory_space<vmem>>, vector<1x18432x128xi32>,
    %scan3A = arith.constant 0 : i32
    %scan3A_12 = arith.constant 0 : i32
    %scan3A_13 = arith.constant 16 : i32
    %scan3A_14 = arith.addi %scan3A_12, %scan3A_13 : i32
    %scan3A_15 = arith.constant 1 : i32
    %scan3A_16 = scf.for %scan3A_29 = %scan3A_12 to %scan3A_14 step %scan3A_15 iter_args(%scan3A_30 = %scan3A) -> (i32)  : i32 {
      %mul3A = arith.constant 2 : i32
      %mul3A_31 = arith.muli %mul3A, %scan3A_29 : i32
      %sub3A = arith.constant 31 : i32
      %sub3A_32 = arith.subi %sub3A, %mul3A_31 : i32
      %shift_left3A = arith.constant 1 : i32
      %shift_left3A_33 = arith.shli %shift_left3A, %sub3A_32 : i32
      %shift_right_logical3A_34 = arith.constant 1 : i32
      %shift_right_logical3A_35 = arith.shrui %shift_left3A_33, %shift_right_logical3A_34 : i32
      %or3A = arith.ori %scan3A_30, %shift_left3A_33 : i32
      %or3A_36 = arith.ori %scan3A_30, %shift_right_logical3A_35 : i32
      %or3A_37 = arith.ori %or3A, %shift_right_logical3A_35 : i32
      %get3A_38 = arith.constant 0 : index
      %get3A_39 = arith.constant 0 : index
      %get3A_40 = arith.constant 0 : index
      %get3A_41 = vector.load %arg3[%get3A_38, %get3A_39, %get3A_40] : memref<1x18432x128xi32, #tpu.memory_space<vmem>>, vector<1x18432x128xi32>
      %get3A_42 = vector.shape_cast %get3A_41 : vector<1x18432x128xi32> to vector<18432x128xi32>
      %broadcast_in_dim3A_43 = arith.constant 1.000000e+00 : f32
      %broadcast_in_dim3A_44 = vector.broadcast %broadcast_in_dim3A_43 : f32 to vector<1x18432xf32>
      %ge3A_45 = vector.broadcast %or3A : i32 to vector<18432x128xi32>
      %ge3A_46 = arith.cmpi uge, %get3A_42, %ge3A_45 : vector<18432x128xi32>
      %convert_element_type3A = arith.extui %ge3A_46 : vector<18432x128xi1> to vector<18432x128xi32>
      %convert_element_type3A_47 = arith.sitofp %convert_element_type3A : vector<18432x128xi32> to vector<18432x128xf32>
      %dot_general3A = arith.constant dense<0.000000e+00> : vector<1x128xf32>
      %dot_general3A_48 = tpu.matmul %broadcast_in_dim3A_44, %convert_element_type3A_47, %dot_general3A {dimension_numbers = #tpu.dot_dimension_numbers<[1], [0], [0], [1], [0, 0, 1, 1], [], []>, transpose_lhs_hint = false} : vector<1x18432xf32>, vector<18432x128xf32>, vector<1x128xf32> -> vector<1x128xf32>
      %reduce_sum3A = vector.shape_cast %dot_general3A_48 : vector<1x128xf32> to vector<1x1x128xf32>
      %reduce_sum3A_49 = arith.constant dense<0.000000e+00> : vector<1xf32>
      %reduce_sum3A_50 = vector.multi_reduction <add>, %reduce_sum3A, %reduce_sum3A_49 [1, 2] : vector<1x1x128xf32> to vector<1xf32>
      %reduce_sum3A_51 = vector.shape_cast %reduce_sum3A_50 : vector<1xf32> to vector<1x1x1xf32>
      %reduce_sum3A_52 = vector.extract %reduce_sum3A_51[0, 0, 0] : f32 from vector<1x1x1xf32>
      %convert_element_type3A_53 = arith.fptosi %reduce_sum3A_52 : f32 to i32
      %ge3A_54 = vector.broadcast %or3A_36 : i32 to vector<18432x128xi32>
      %ge3A_55 = arith.cmpi uge, %get3A_42, %ge3A_54 : vector<18432x128xi32>
      %convert_element_type3A_56 = arith.extui %ge3A_55 : vector<18432x128xi1> to vector<18432x128xi32>
      %convert_element_type3A_57 = arith.sitofp %convert_element_type3A_56 : vector<18432x128xi32> to vector<18432x128xf32>
      %dot_general3A_58 = arith.constant dense<0.000000e+00> : vector<1x128xf32>
      %dot_general3A_59 = tpu.matmul %broadcast_in_dim3A_44, %convert_element_type3A_57, %dot_general3A_58 {dimension_numbers = #tpu.dot_dimension_numbers<[1], [0], [0], [1], [0, 0, 1, 1], [], []>, transpose_lhs_hint = false} : vector<1x18432xf32>, vector<18432x128xf32>, vector<1x128xf32> -> vector<1x128xf32>
      %reduce_sum3A_60 = vector.shape_cast %dot_general3A_59 : vector<1x128xf32> to vector<1x1x128xf32>
      %reduce_sum3A_61 = arith.constant dense<0.000000e+00> : vector<1xf32>
      %reduce_sum3A_62 = vector.multi_reduction <add>, %reduce_sum3A_60, %reduce_sum3A_61 [1, 2] : vector<1x1x128xf32> to vector<1xf32>
      %reduce_sum3A_63 = vector.shape_cast %reduce_sum3A_62 : vector<1xf32> to vector<1x1x1xf32>
      %reduce_sum3A_64 = vector.extract %reduce_sum3A_63[0, 0, 0] : f32 from vector<1x1x1xf32>
      %convert_element_type3A_65 = arith.fptosi %reduce_sum3A_64 : f32 to i32
      %ge3A_66 = vector.broadcast %or3A_37 : i32 to vector<18432x128xi32>
      %ge3A_67 = arith.cmpi uge, %get3A_42, %ge3A_66 : vector<18432x128xi32>
      %convert_element_type3A_68 = arith.extui %ge3A_67 : vector<18432x128xi1> to vector<18432x128xi32>
      %convert_element_type3A_69 = arith.sitofp %convert_element_type3A_68 : vector<18432x128xi32> to vector<18432x128xf32>
      %dot_general3A_70 = arith.constant dense<0.000000e+00> : vector<1x128xf32>
      %dot_general3A_71 = tpu.matmul %broadcast_in_dim3A_44, %convert_element_type3A_69, %dot_general3A_70 {dimension_numbers = #tpu.dot_dimension_numbers<[1], [0], [0], [1], [0, 0, 1, 1], [], []>, transpose_lhs_hint = false} : vector<1x18432xf32>, vector<18432x128xf32>, vector<1x128xf32> -> vector<1x128xf32>
      %reduce_sum3A_72 = vector.shape_cast %dot_general3A_71 : vector<1x128xf32> to vector<1x1x128xf32>
      %reduce_sum3A_73 = arith.constant dense<0.000000e+00> : vector<1xf32>
      %reduce_sum3A_74 = vector.multi_reduction <add>, %reduce_sum3A_72, %reduce_sum3A_73 [1, 2] : vector<1x1x128xf32> to vector<1xf32>
      %reduce_sum3A_75 = vector.shape_cast %reduce_sum3A_74 : vector<1xf32> to vector<1x1x1xf32>
      %reduce_sum3A_76 = vector.extract %reduce_sum3A_75[0, 0, 0] : f32 from vector<1x1x1xf32>
      %convert_element_type3A_77 = arith.fptosi %reduce_sum3A_76 : f32 to i32
      %ge3A_78 = arith.constant 393216 : i32
      %ge3A_79 = arith.cmpi sge, %convert_element_type3A_77, %ge3A_78 : i32
      %select_n3A_80 = arith.select %ge3A_79, %or3A_37, %or3A : i32
      %ge3A_81 = arith.constant 393216 : i32
      %ge3A_82 = arith.cmpi sge, %convert_element_type3A_65, %ge3A_81 : i32
      %select_n3A_83 = arith.select %ge3A_82, %or3A_36, %scan3A_30 : i32
      %ge3A_84 = arith.constant 393216 : i32
      %ge3A_85 = arith.cmpi sge, %convert_element_type3A_53, %ge3A_84 : i32
      %select_n3A_86 = arith.select %ge3A_85, %select_n3A_80, %select_n3A_83 : i32
      scf.yield %select_n3A_86 : i32
    }
    %scan3A_17 = arith.constant 16 : i32
    %ge3A = arith.constant -2147483648 : i32
    %ge3A_18 = arith.cmpi uge, %scan3A_16, %ge3A : i32
    %xor3A_19 = arith.constant -2147483648 : i32
    %xor3A_20 = arith.xori %scan3A_16, %xor3A_19 : i32
    %xor3A_21 = arith.constant -1 : i32
    %xor3A_22 = arith.xori %scan3A_16, %xor3A_21 : i32
    %select_n3A_23 = arith.select %ge3A_18, %xor3A_20, %xor3A_22 : i32
    %bitcast_convert_type3A_24 = arith.bitcast %select_n3A_23 : i32 to f32
    %swap3A_25 = arith.constant 0 : index
    %swap3A_26 = arith.constant 0 : index
    %swap3A_27 = arith.constant 0 : index
    %swap3A_28 = memref.load %arg2[%swap3A_25, %swap3A_26, %swap3A_27] : memref<1x1x1xf32, #tpu.memory_space<smem>>
    memref.store %bitcast_convert_type3A_24, %arg2[%swap3A_25, %swap3A_26, %swap3A_27] : memref<1x1x1xf32, #tpu.memory_space<smem>>
    return
  }
  func.func @transform_0(%arg0: i32) -> (i32, i32, i32) {
    %c0_i32 = arith.constant 0 : i32
    %c0_i32_0 = arith.constant 0 : i32
    %c0_i32_1 = arith.constant 0 : i32
    return %arg0, %c0_i32, %c0_i32_0 : i32, i32, i32
  }
  func.func @transform_1(%arg0: i32) -> (i32, i32, i32) {
    %c0_i32 = arith.constant 0 : i32
    %c0_i32_0 = arith.constant 0 : i32
    %c0_i32_1 = arith.constant 0 : i32
    return %arg0, %c0_i32, %c0_i32_0 : i32, i32, i32
  }
}

module attributes {stable_mosaic.version = 14 : i64} {
  func.func @_mask_body(%arg0: i32, %arg1: memref<1x1x1xf32, #tpu.memory_space<smem>>, %arg2: memref<1x384x384xf32, #tpu.memory_space<vmem>>, %arg3: memref<1x384x384xf32, #tpu.memory_space<vmem>>) attributes {dimension_semantics = [#tpu.dimension_semantics<arbitrary>], iteration_bounds = array<i64: 128>, scalar_prefetch = 0 : i64, scratch_operands = 0 : i64, tpu.core_type = #tpu.core_type<tc>, window_params = [{transform_indices = @transform_0, window_bounds = array<i64: 1, 1, 1>}, {transform_indices = @transform_1, window_bounds = array<i64: 1, 384, 384>}, {transform_indices = @transform_2, window_bounds = array<i64: 1, 384, 384>}]} {
    %get3A = arith.constant 0 : index
    %get3A_0 = arith.constant 0 : index
    %get3A_1 = arith.constant 0 : index
    %get3A_2 = memref.load %arg1[%get3A, %get3A_0, %get3A_1] : memref<1x1x1xf32, #tpu.memory_space<smem>>
    %div3A = arith.constant 3.840000e+02 : f32
    %div3A_3 = arith.divf %get3A_2, %div3A : f32
    %get3A_4 = arith.constant 0 : index
    %get3A_5 = arith.constant 0 : index
    %get3A_6 = arith.constant 0 : index
    %get3A_7 = vector.load %arg2[%get3A_4, %get3A_5, %get3A_6] : memref<1x384x384xf32, #tpu.memory_space<vmem>>, vector<1x384x384xf32>
    %div3A_8 = arith.constant 3.840000e+02 : f32
    %div3A_9 = vector.broadcast %div3A_8 : f32 to vector<1x384x384xf32>
    %div3A_10 = arith.divf %get3A_7, %div3A_9 : vector<1x384x384xf32>
    %ge3A = vector.broadcast %div3A_3 : f32 to vector<1x384x384xf32>
    %ge3A_11 = arith.cmpf oge, %div3A_10, %ge3A : vector<1x384x384xf32>
    %convert_element_type3A = arith.extui %ge3A_11 : vector<1x384x384xi1> to vector<1x384x384xi32>
    %convert_element_type3A_12 = arith.sitofp %convert_element_type3A : vector<1x384x384xi32> to vector<1x384x384xf32>
    %swap3A = arith.constant 0 : index
    %swap3A_13 = arith.constant 0 : index
    %swap3A_14 = arith.constant 0 : index
    %swap3A_15 = vector.load %arg3[%swap3A, %swap3A_13, %swap3A_14] : memref<1x384x384xf32, #tpu.memory_space<vmem>>, vector<1x384x384xf32>
    tpu.vector_store %arg3[%swap3A, %swap3A_13, %swap3A_14], %convert_element_type3A_12 {strides = array<i32>} : memref<1x384x384xf32, #tpu.memory_space<vmem>>, vector<1x384x384xf32>,
    return
  }
  func.func @transform_0(%arg0: i32) -> (i32, i32, i32) {
    %jit3A = arith.constant 16 : i32
    %div3A = arith.divsi %arg0, %jit3A : i32
    %sign3A = arith.constant 0 : i32
    %sign3A_0 = arith.cmpi sgt, %arg0, %sign3A : i32
    %sign3A_1 = arith.extui %sign3A_0 : i1 to i32
    %sign3A_2 = arith.constant 0 : i32
    %sign3A_3 = arith.cmpi slt, %arg0, %sign3A_2 : i32
    %sign3A_4 = arith.extui %sign3A_3 : i1 to i32
    %sign3A_5 = arith.subi %sign3A_1, %sign3A_4 : i32
    %sign3A_6 = arith.constant 0 : i32
    %sign3A_7 = arith.cmpi sgt, %jit3A, %sign3A_6 : i32
    %sign3A_8 = arith.extui %sign3A_7 : i1 to i32
    %sign3A_9 = arith.constant 0 : i32
    %sign3A_10 = arith.cmpi slt, %jit3A, %sign3A_9 : i32
    %sign3A_11 = arith.extui %sign3A_10 : i1 to i32
    %sign3A_12 = arith.subi %sign3A_8, %sign3A_11 : i32
    %ne3A = arith.cmpi ne, %sign3A_5, %sign3A_12 : i32
    %rem3A = arith.remsi %arg0, %jit3A : i32
    %ne3A_13 = arith.constant 0 : i32
    %ne3A_14 = arith.cmpi ne, %rem3A, %ne3A_13 : i32
    %and3A = arith.andi %ne3A, %ne3A_14 : i1
    %sub3A = arith.constant 1 : i32
    %sub3A_15 = arith.subi %div3A, %sub3A : i32
    %select_n3A = arith.select %and3A, %sub3A_15, %div3A : i32
    %c0_i32 = arith.constant 0 : i32
    %c0_i32_16 = arith.constant 0 : i32
    %c0_i32_17 = arith.constant 0 : i32
    return %select_n3A, %c0_i32, %c0_i32_16 : i32, i32, i32
  }
  func.func @transform_1(%arg0: i32) -> (i32, i32, i32) {
    %c0_i32 = arith.constant 0 : i32
    %c0_i32_0 = arith.constant 0 : i32
    %c0_i32_1 = arith.constant 0 : i32
    return %arg0, %c0_i32, %c0_i32_0 : i32, i32, i32
  }
  func.func @transform_2(%arg0: i32) -> (i32, i32, i32) {
    %c0_i32 = arith.constant 0 : i32
    %c0_i32_0 = arith.constant 0 : i32
    %c0_i32_1 = arith.constant 0 : i32
    return %arg0, %c0_i32, %c0_i32_0 : i32, i32, i32
  }
}

</mosaic_0001>

<sc_bundles>
// kernel: sparse-core-data-format-call.cloned.1.call-start
scs
called_computation_lowered:
.L_overlay_start_0:
0x0: {  	s2 =	sld [smem:$0x3FD9]  }
0x1: {  	s3 =	sld [smem:$0x3FFE];
	_ =	sdelay $0x1  }
0x2: {  	s1 =	srdreg.scid  }
0x3: {  	s0 =	sand.u32 $0x1, s1  }
0x4: {  	s18 =	sshll.u32 s0, $0xA;
	s2 =	sadd.s32 s3, s2  }
0x5: {  	s2 =	sadd.s32 s2, s18  }
0x6: {  	[smem:$0x3FC6] =	sst s2  }
0x7: {  	_ = 	snop  }
0x8: {  	s2 =	sld [smem:$0x3FC9];
	(tm) =	ssettm $0x1  }
0x9: {  	s19 =	sld [smem:$0x3FFB];
	_ =	sdelay $0x3  }
0xa: {  	_ =	strace s19  }
0xb: {  	s3 =	sld [smem:$0x3FFC];
	_ =	sdelay $0x3  }
0xc: {  	_ =	strace s3  }
0xd: {  	s3 =	sld [smem:$0x3FFD];
	_ =	sdelay $0x3  }
0xe: {  	_ =	strace s3  }
0xf: {  	_ =	strace $0x8FFFFFFF  }
0x10: {  	s20 =	sld [smem:$0x3FDB];
	_ =	sdelay $0x1  }
0x11: {  	s4 =	simm.s32 $_scs_section_size  }
0x12: {  	s5 =	simm.s32 $_size__tile_overlayer_lowered;
	s6 =	simm.s32 $_tile_overlayer_lowered  }
0x13: {  	s23 =	simm.s32 $0x1BFF;
	s22 =	sshll.u32 s6, $0x1;
	s3 =	sadd.s32 s4, s20  }
0x14: {  	s7 =	simm.s32 $0x0;
	s21 =	sshll.u32 s5, $0x1;
	s5 =	sadd.s32 s22, s3  }
0x15: {  	[timem:s7], [sflag:s23] =	dma.local [hbm:s5], s21  }
0x16: {  	_ =	swait.ge [sflag:s23], s21  }
0x17: {  	s4 =	ssub.s32 $0x0, s21;
	[sflag:s23] =	ssyncset.done $0x0  }
0x18: {  	[sflag:s23] =	ssyncadd.s32 s4;
	_ =	sdelay $0x1  }
0x19: {  	s24 =	simm.s32 $0x1B8B  }
0x1a: {  	_ =	swait.ge [sflag:s24], $0x1  }
0x1b: {  	[sflag:s24] =	ssyncset.done $0x0  }
0x1c: {  	s26 =	simm.s32 $0x1B8E;
	s25 =	sld [smem:$0x3FFE];
	[sflag:s24] =	ssyncadd.s32 $0xFFFFFFFF  }
0x1d: {  	s27 =	simm.s32 $execute0_lowered;
	[smem:$0x3FD2] =	sst s26  }
0x1e: {  	s5 =	sshll.u32 s27, $0x1;
	_ =	strace $0x80000046;
	[dreg:$0x1] =	wrdreg $0xFFFFFFFF  }
0x1f: {  	s28 =	simm.s32 $_size_execute0_lowered;
	s3 =	sadd.s32 s3, s5;
	[dreg:$0x0] =	wrdreg $0x0  }
0x20: {  	s5 =	sshll.u32 s28, $0x1;
	[dreg:$0x2] =	wrdreg s3  }
0x21: {  	[dreg:$0x3] =	wrdreg s5  }
0x22: {  	[dreg:$0x4] =	wrdreg $0xC0  }
0x23: {  	_ =	task [dreg:s7], $0x5FFFF  }
0x24: {  	[dreg:$0x1] =	wrdreg $0xFFFFFFFF  }
0x25: {  	[dreg:$0x0] =	wrdreg $0x60  }
0x26: {  	[dreg:$0x2] =	wrdreg s2  }
0x27: {  	[dreg:$0x3] =	wrdreg s25  }
0x28: {  	[dreg:$0x4] =	wrdreg $0x9  }
0x29: {  	_ =	task.clear_ibuf [dreg:s7], $0x5FFFF;
	_ =	strace $0x90000046  }
0x2a: {  	s29 =	simm.s32 $0x9;
	_ =	strace $0x80000048  }
0x2b: {  	_ =	swait.ge [sflag:s29], $0x1  }
0x2c: {  	[sflag:s29] =	ssyncadd.s32 $0xFFFFFFFF  }
0x2d: {  	_ =	strace $0x90000048  }
0x2e: {  	_ =	sfence  }
0x2f: {  	s30 =	sld [smem:$0x0];
	_ =	sdelay $0x2  }
0x30: {  	s31 =	sshll.u32 s1, $0xD;
	s1 =	sshrl.u32 s1, $0x2  }
0x31: {  	s3 =	sand.u32 $0x4000, s31;
	s1 =	sadd.s32 s1, s30  }
0x32: {  	s0 =	sor.u32 s3, s0;
	s1 =	sshll.u32 s1, $0x11  }
0x33: {  	s0 =	sor.u32 s1, s0  }
0x34: {  	s0 =	sadd.s32 $0x8F2B, s0  }
0x35: {  	[sflag:s0] =	ssyncadd.remote.s32 $0x1  }
0x36: {  	_ =	sfence.sel $0xFFFF  }
0x37: {  	[dreg:$0x0] =	wrdreg $0xFFFFFFFF;
	(pc) =	sbr.abs _section_cstart, $3  }
0x38: {  	[dreg:$0x1] =	wrdreg $0xFFFFFFFF  }
0x39: {  	_ =	task.clear_ibuf [dreg:s7], $0x2FFFF;
	_ =	strace $0x9FFFFFFF  }
0x3a: {  	(tm) =	ssettm $0x7FFFFFFF  }
0x3b: {  	_ =	shalt  }
tec
execute0_lowered:
.L_overlay_start_1:
0x0: {  	(tag) =	ssettag $0x1  }
0x1: {  	s1 =	srdreg.scid  }
0x2: {  	s0 =	stileid.u32;
	s3 =	rddreg [dreg:$0x0]  }
0x3: {  	s6 =	rddreg [dreg:$0x1];
	s8 =	simm.s32 $0x2;
	s1 =	sshll.u32 s1, $0x4  }
0x4: {  	s18 =	simm.s32 $0x0;
	s9 =	simm.s32 $0x24000;
	s1 =	sor.u32 s0, s1  }
0x5: {  	s10 =	simm.s32 $0x0;
	s16 =	simm.s32 $0x0;
	s2 =	sand.u32 $0x18, s1  }
0x6: {  	s19 =	simm.s32 $0x0;
	s17 =	simm.s32 $0x0;
	s1 =	ssub.s32 $0x180, s2  }
0x7: {  	s11 =	simm.s32 $0x0;
	s12 =	simm.s32 $0x0;
	s4 =	sand.u32 $0x18, s1  }
0x8: {  	s15 =	simm.s32 $0x0;
	p0 =	sne.s32 s4, $0x0;
	s4 =	simm.s32 $0x1  }
.Ltmp0:
0x9: {  	s5 =	sshrl.u32 s1, $0x5;
	s4 =	simm.s32 @!p0 $0x0;
	(pc) =	sbr.rel .LBB1_1-.Ltmp0, $4  }
0xa: {  	s7 =	sand.u32 $0x7, s0;
	s1 =	rddreg [dreg:$0x2];
	s5 =	sadd.s32 s4, s5  }
0xb: {  	_ =	strace $0x80000047;
	s4 =	simm.s32 $0x1;
	s5 =	smul.u32 $0x3, s5  }
0xc: {  	s6 =	sadd.s32 $0x400, s6;
	s14 =	smov.u32 s7;
	[sflag:s4] =	ssyncpa.u1 $0x0  }
0xd: {  	s13 =	smov.u32 s2;
	[sflag:s8] =	ssyncpa.u1 $0x0;
	s8 =	sadd.s32 $0x1, s5  }
.LBB1_7:
0xe: {  	s20 =	sadd.s32 $0x80, s11  }
0xf: {  	s16 =	sadd.s32 $0x10, s12;
	s21 =	smov.u32 s12;
	p1 =	sgt.s32 s20, $0x17F  }
0x10: {  	s21 =	smov.u32 @p1 s16  }
0x11: {  	s22 =	smov.u32 s13;
	s16 =	sadd.s32 $0x20, s13;
	p2 =	sgt.s32 s21, $0xF  }
0x12: {  	s22 =	smov.u32 @p2 s16  }
0x13: {  	s23 =	smov.u32 s14;
	s16 =	sadd.s32 $0x8, s14;
	p3 =	sgt.s32 s22, $0x17F  }
0x14: {  	p0 =	slt.u32 s15, $0x2;
	s23 =	smov.u32 @p3 s16  }
0x15: {  	s18 =	smov.u32 s11;
	s20 =	simm.s32 @p1 $0x0;
	p1 =	sgt.s32 s23, $0x7  }
0x16: {  	s24 =	simm.s32 @!p0 $0x2;
	s23 =	smov.u32 @p1 s7;
	p1 =	sne.s32 s15, s8  }
.Ltmp1:
0x17: {  	s19 =	smov.u32 s13;
	_ =	swait.ge @!p0 [sflag:s24], $0x4000;
	(pc) =	sbr.rel @!p1 .LBB1_8-.Ltmp1, $4  }
0x18: {  	s17 =	smov.u32 s14;
	s10 =	sadd.s32 $0x4000, s10;
	[sflag:s24] =	ssyncset.done @!p0 $0x0  }
0x19: {  	s11 =	smov.u32 s20;
	s21 =	simm.s32 @p2 $0x0;
	[sflag:s24] =	ssyncadd.s32 @!p0 $0xFFFFC000  }
0x1a: {  	s22 =	smov.u32 @p3 s2;
	s16 =	smov.u32 s12;
	s12 =	smov.u32 s21  }
0x1b: {  	s13 =	smov.u32 s22;
	s15 =	sadd.s32 $0x1, s15;
	s14 =	smov.u32 s23  }
.LBB1_1:
0x1c: {  	p0 =	sge.u32 s15, s5  }
0x1d: {  	s20 =	sshrl.u32 @!p0 s12, $0x3  }
0x1e: {  	s21 =	sshll.u32 @!p0 s11, $0x3;
	s20 =	smul.u32 @!p0 $0xC00, s20  }
0x1f: {  	s22 =	sshll.u32 @!p0 s12, $0x7;
	s21 =	sand.u32 @!p0 $0xFFFFFC00, s21  }
0x20: {  	s20 =	sadd.s32 @!p0 s20, s21;
	s21 =	sand.u32 @!p0 $0x380, s22  }
0x21: {  	s22 =	sand.u32 @!p0 $0x7F, s11;
	s20 =	sor.u32 @!p0 s21, s20  }
0x22: {  	s21 =	sor.u32 @!p0 s22, s20  }
0x23: {  	s22 =	smulhi.u32 @!p0 $0xAAAAAAAB, s21  }
0x24: {  	s20 =	smulhi.u32 @!p0 $0xAAAAAAAB, s20  }
0x25: {  	s31 =	sadd.s32 $0xFFFFFFFF, s15;
	s24 =	smul.u32 @!p0 $0x48000, s14;
	s22 =	sshrl.u32 @!p0 s22, $0x8  }
0x26: {  	s23 =	sxor.u32 @!p0 $0xFFFFFFFF, s15;
	s20 =	sshrl.u32 @!p0 s20, $0x8;
	s22 =	smul.u32 @!p0 $0x180, s22  }
0x27: {  	s25 =	smul.u32 @!p0 $0x300, s13;
	s23 =	sshll.u32 @!p0 s23, $0xE;
	s20 =	sand.u32 @!p0 $0xF, s20  }
0x28: {  	s20 =	smul.u32 @!p0 $0x30, s20;
	s21 =	ssub.s32 @!p0 s21, s22;
	s22 =	sadd.s32 @!p0 s3, s24  }
0x29: {  	s23 =	sand.u32 @!p0 $0x4000, s23;
	s22 =	sadd.s32 @!p0 s25, s22;
	s24 =	sand.u32 @!p0 $0x7, s21  }
0x2a: {  	s21 =	sshrl.u32 @!p0 s21, $0x3;
	s20 =	sadd.s32 @!p0 s20, s22;
	s22 =	sshll.u32 @!p0 s24, $0x12  }
0x2b: {  	s20 =	sadd.s32 @!p0 s21, s20;
	s21 =	sor.u32 @!p0 $0x400, s22;
	s22 =	simm.s32 @!p0 $0xC00  }
0x2c: {  	[tilespmem:s23], [sflag:$0x1] =	stream.strided.gather @!p0 [hbm4b:s20+s21], $0x4000, s22, s21, $0x38;
	[tilespmem:$0x10000] =	vst v63  }
0x2d: {  	p0 =	sge.u32 s31, s5  }
.Ltmp2:
0x2e: {  	_ = 	snop;
	(pc) =	sbr.rel @p0 .LBB1_7-.Ltmp2, $1  }
0x2f: {  	_ =	sdelay $0x3  }
0x30: {  	s20 =	sand.u32 $0x4000, s10  }
0x31: {  	_ =	swait.ge [sflag:s4], $0x4000;
	s23 =	sshll.u32 s15, $0xE;
	s21 =	sor.u32 $0x8040, s20  }
0x32: {  	s22 =	sor.u32 $0x40, s20;
	[sflag:s4] =	ssyncset.done $0x0;
	s31 =	sand.u32 $0x4000, s23  }
0x33: {  	s23 =	simm.s32 $0x0;
	[sflag:s4] =	ssyncadd.s32 $0xFFFFC000;
	s20 =	sor.u32 $0x8000, s31  }
.LBB1_3:
0x34: {  	v0 =	vmov s22;
	_ =	sdelay $0x3  }
0x35: {  	s25 =	simm.s32 $0x0  }
0x36: {  	v6 =	vld.idx.msk [tilespmem:v0+s25+$0x30 ss:$0x1], $0xffff  }
0x37: {  	v7 =	vld.idx.msk [tilespmem:v0+s25+$0xFFFFFFC0 ss:$0x1], $0xffff  }
0x38: {  	v5 =	vld.idx.msk [tilespmem:v0+s25+$0xFFFFFFD0 ss:$0x1], $0xffff  }
0x39: {  	v4 =	vld.idx.msk [tilespmem:v0+s25+$0xFFFFFFE0 ss:$0x1], $0xffff  }
0x3a: {  	v3 =	vld.idx.msk [tilespmem:v0+s25+$0xFFFFFFF0 ss:$0x1], $0xffff  }
0x3b: {  	v1 =	vld.idx.msk [tilespmem:v0+s25+$0x0 ss:$0x1], $0xffff  }
0x3c: {  	v2 =	vld.idx.msk [tilespmem:v0+s25+$0x10 ss:$0x1], $0xffff;
	[tilespmem:s21+$0x30] =	vst v6  }
0x3d: {  	s24 =	simm.s32 $0x80;
	s26 =	simm.s32 $0x400;
	[tilespmem:s21+$0xFFFFFFC0] =	vst v7;
	v6 =	vld.idx.msk [tilespmem:v0+s25+$0x20 ss:$0x1], $0xffff;
	s25 =	smov.u32 s21  }
.LBB1_4:
0x3e: {  	p0 =	sne.s32 s26, $0x1E00;
	v7 =	vld.idx.msk [tilespmem:v0+s24+$0x30 ss:$0x1], $0xffff;
	[tilespmem:s25+$0xFFFFFFD0] =	vst v5  }
0x3f: {  	v8 =	vld.idx.msk [tilespmem:v0+s24+$0xFFFFFFC0 ss:$0x1], $0xffff;
	[tilespmem:s25+$0xFFFFFFE0] =	vst v4  }
0x40: {  	v5 =	vld.idx.msk [tilespmem:v0+s24+$0xFFFFFFD0 ss:$0x1], $0xffff;
	[tilespmem:s25+$0xFFFFFFF0] =	vst v3  }
.Ltmp3:
0x41: {  	v4 =	vld.idx.msk [tilespmem:v0+s24+$0xFFFFFFE0 ss:$0x1], $0xffff;
	[tilespmem:s25+$0x0] =	vst v1;
	(pc) =	sbr.rel @p0 .LBB1_4-.Ltmp3, $4  }
0x42: {  	v3 =	vld.idx.msk [tilespmem:v0+s24+$0xFFFFFFF0 ss:$0x1], $0xffff;
	[tilespmem:s25+$0x10] =	vst v2  }
0x43: {  	v1 =	vld.idx.msk [tilespmem:v0+s24+$0x0 ss:$0x1], $0xffff;
	[tilespmem:s25+$0x20] =	vst v6;
	s25 =	sadd.s32 $0x400, s25  }
0x44: {  	v2 =	vld.idx.msk [tilespmem:v0+s24+$0x10 ss:$0x1], $0xffff;
	[tilespmem:s25+$0x30] =	vst v7  }
0x45: {  	[tilespmem:s25+$0xFFFFFFC0] =	vst v8;
	v6 =	vld.idx.msk [tilespmem:v0+s24+$0x20 ss:$0x1], $0xffff;
	s24 =	sshra.s32 s26, $0x2;
	s26 =	sadd.s32 $0x200, s26  }
0x46: {  	_ =	sdelay $0x2  }
0x47: {  	[tilespmem:s25+$0xFFFFFFD0] =	vst v5  }
0x48: {  	v56 =	vld.idx.msk [tilespmem:v0+s24+$0x30 ss:$0x1], $0xffff;
	[tilespmem:s25+$0xFFFFFFE0] =	vst v4  }
0x49: {  	v57 =	vld.idx.msk [tilespmem:v0+s24+$0xFFFFFFC0 ss:$0x1], $0xffff;
	[tilespmem:s25+$0xFFFFFFF0] =	vst v3  }
0x4a: {  	v58 =	vld.idx.msk [tilespmem:v0+s24+$0xFFFFFFD0 ss:$0x1], $0xffff;
	[tilespmem:s25+$0x0] =	vst v1  }
0x4b: {  	v59 =	vld.idx.msk [tilespmem:v0+s24+$0xFFFFFFE0 ss:$0x1], $0xffff;
	[tilespmem:s25+$0x10] =	vst v2  }
0x4c: {  	v60 =	vld.idx.msk [tilespmem:v0+s24+$0xFFFFFFF0 ss:$0x1], $0xffff;
	s31 =	sadd.s32 $0x400, s25;
	[tilespmem:s25+$0x20] =	vst v6  }
0x4d: {  	v61 =	vld.idx.msk [tilespmem:v0+s24+$0x0 ss:$0x1], $0xffff;
	[tilespmem:s31+$0x30] =	vst v56  }
0x4e: {  	v62 =	vld.idx.msk [tilespmem:v0+s24+$0x10 ss:$0x1], $0xffff;
	s23 =	sadd.s32 $0x1, s23;
	[tilespmem:s31+$0xFFFFFFC0] =	vst v57  }
0x4f: {  	v63 =	vld.idx.msk [tilespmem:v0+s24+$0x20 ss:$0x1], $0xffff;
	p0 =	sne.s32 s23, $0x8;
	[tilespmem:s31+$0xFFFFFFD0] =	vst v58  }
.Ltmp4:
0x50: {  	[tilespmem:s31+$0xFFFFFFE0] =	vst v59;
	(pc) =	sbr.rel @p0 .LBB1_3-.Ltmp4, $4  }
0x51: {  	[tilespmem:s31+$0xFFFFFFF0] =	vst v60  }
0x52: {  	[tilespmem:s31+$0x0] =	vst v61  }
0x53: {  	[tilespmem:s31+$0x10] =	vst v62  }
0x54: {  	s21 =	sadd.s32 $0x80, s21;
	s22 =	sadd.s32 $0x800, s22;
	[tilespmem:s31+$0x20] =	vst v63  }
0x55: {  	s21 =	sshrl.u32 s19, $0x3  }
0x56: {  	s22 =	sshll.u32 s18, $0x3;
	s21 =	smul.u32 $0xC00, s21  }
0x57: {  	s27 =	sshll.u32 s19, $0x7;
	s22 =	sand.u32 $0xFFFFFC00, s22  }
0x58: {  	s19 =	sand.u32 $0x380, s27;
	s21 =	sadd.s32 s21, s22  }
0x59: {  	s28 =	sand.u32 $0x7F, s18;
	s19 =	sor.u32 s19, s21  }
0x5a: {  	s18 =	sor.u32 s28, s19;
	s19 =	smulhi.u32 $0xAAAAAAAB, s19;
	_ =	sdelay $0x1  }
0x5b: {  	s17 =	smul.u32 $0x48000, s17;
	s19 =	sshrl.u32 s19, $0x8  }
0x5c: {  	s30 =	smulhi.u32 $0xAAAAAB, s19  }
0x5d: {  	s29 =	smulhi.u32 $0xAAAAAAAB, s18  }
0x5e: {  	s22 =	smul.u32 $0x180, s30  }
0x5f: {  	s16 =	smul.u32 $0x4800, s16;
	s21 =	sshrl.u32 s29, $0x8  }
0x60: {  	s21 =	smul.u32 $0x180, s21;
	s19 =	ssub.s32 s19, s22  }
0x61: {  	s19 =	smul.u32 $0x30, s19  }
.Ltmp5:
0x62: {  	s17 =	sadd.s32 s6, s17;
	s18 =	ssub.s32 s18, s21;
	(pc) =	sbr.rel .LBB1_7-.Ltmp5, $4  }
0x63: {  	s16 =	sadd.s32 s16, s17;
	s31 =	sand.u32 $0x7, s18  }
0x64: {  	s18 =	sshrl.u32 s18, $0x3;
	s17 =	sshll.u32 s31, $0x12;
	s16 =	sadd.s32 s19, s16  }
0x65: {  	s17 =	sor.u32 $0x400, s17;
	s16 =	sadd.s32 s18, s16  }
0x66: {  	[hbm4b:s16+s17] =	stream.strided.scatter [tilespmem:s20], [sflag:$0x2], $0x4000, s9, s17, $0x38;
	[tilespmem:$0x10000] =	vst v63  }
.LBB1_8:
0x67: {  	_ =	sfence.sel $0x180000  }
0x68: {  	s2 =	simm.s32 $0x1;
	[bflag:$0x0] =	sbarrier.arrive $0xFFFF  }
0x69: {  	s31 =	simm.s32 $0x2;
	[sflag:s2] =	ssyncpa.u1 $0x1  }
0x6a: {  	[sflag:s31] =	ssyncpa.u1 $0x1  }
0x6b: {  	p0 =	sne.s32 s0, $0x0;
	_ =	strace $0x90000047  }
0x6c: {  	s0 =	sadd.s32 @!p0 $0x100000, s1;
	[bflag:$0x2] =	sbarrier.arrive $0xFFFF  }
0x6d: {  	[sflag:s0] =	ssyncadd.tile.s32 @!p0 $0x1;
	_ =	shalt  }
.Lfunc_end1:
_tile_overlayer_lowered:
.L_overlay_start_2:
0x6e: {  	(tag) =	ssettag $0x2  }
0x6f: {  	s0 =	rddreg [dreg:$0x0];
	s2 =	stileid.u32  }
0x70: {  	s1 =	rddreg [dreg:$0x1];
	p0 =	sne.s32 s2, $0x0  }
0x71: {  	s3 =	rddreg [dreg:$0x2];
	[bflag:$0x3] =	sbarrier.arrive $0xFFFF;
	s2 =	simm.s32 @!p0 $0x1C01  }
0x72: {  	[timem:s3], [sflag:s2] =	dma.local @!p0 [hbm:s0], s1  }
0x73: {  	s0 =	simm.s32 @!p0 $0x1  }
0x74: {  	_ =	swait.ge @!p0 [sflag:s0], s1  }
0x75: {  	s1 =	ssub.s32 @!p0 $0x0, s1;
	[sflag:s0] =	ssyncset.done @!p0 $0x0  }
0x76: {  	[sflag:s0] =	ssyncadd.s32 @!p0 s1  }
0x77: {  	[bflag:$0x3] =	sbarrier.arrive $0xFFFF  }
0x78: {  	_ =	shalt  }

</sc_bundles>
